<compile_context>
chip_gen: v7x
topology: tpu7x:2x2x1
jax: 0.10.2.dev20260603
libtpu: 0.0.44.dev20260713+nightly
codegen_flags: <defaults>
</compile_context>

<pallas_src>
import functools

import jax
import jax.numpy as jnp
from jax.experimental import pallas as pl
from jax.experimental.pallas import tpu as pltpu
from jax.experimental.pallas import tpu_sc as plsc

_N = 2
_NNZ = 2


def _scs_body(x_h, rows_h, cols_h, vals_h, out_h,
              x_s, rows_s, cols_s, vals_s, out_s, sem):
    c0 = pltpu.make_async_copy(x_h, x_s, sem)
    c1 = pltpu.make_async_copy(rows_h, rows_s, sem)
    c2 = pltpu.make_async_copy(cols_h, cols_s, sem)
    c3 = pltpu.make_async_copy(vals_h, vals_s, sem)
    c0.start()
    c1.start()
    c2.start()
    c3.start()
    c0.wait()
    c1.wait()
    c2.wait()
    c3.wait()
    for j in range(_N):
        out_s[j] = 0.0
    for i in range(_NNZ):
        r = rows_s[i]
        c = cols_s[i]
        out_s[r] = out_s[r] + vals_s[i] * x_s[c]
    pltpu.sync_copy(out_s, out_h)


_scs_call = functools.partial(
    pl.kernel,
    out_type=jax.ShapeDtypeStruct((_N,), jnp.float32),
    mesh=plsc.ScalarSubcoreMesh(axis_name="c", num_cores=1),
    scratch_types=[
        pltpu.SMEM((_N,), jnp.float32),
        pltpu.SMEM((_NNZ,), jnp.int32),
        pltpu.SMEM((_NNZ,), jnp.int32),
        pltpu.SMEM((_NNZ,), jnp.float32),
        pltpu.SMEM((_N,), jnp.float32),
        pltpu.SemaphoreType.DMA,
    ],
    compiler_params=pltpu.CompilerParams(needs_layout_passes=False),
)(_scs_body)


@jax.jit
def kernel(x, rows, cols, vals):
    return _scs_call(x, rows, cols, vals)

# --- scband reference (transcript-rebuilt; emitter-appended) ---
"""Pipeline reference for scband-my-model-61933428415833 (READ-ONLY COPY).

The authoritative reference and input builder live on the scoring server;
editing this copy changes nothing except your own understanding.
"""

import jax, jax.numpy as jnp
import numpy as np


def setup_inputs(seed: int = 0) -> dict:
    key = jax.random.key(seed)
    x = jax.random.normal(key, (2,), dtype=jnp.float32)
    # Frozen sparse parameter `a`: COO indices [[0,1],[0,1]], values [1.0, 2.0], shape (2,2)
    rows = jnp.array([0, 1], dtype=jnp.int32)
    cols = jnp.array([0, 1], dtype=jnp.int32)
    vals = jnp.array([1.0, 2.0], dtype=jnp.float32)
    return {"x": x, "rows": rows, "cols": cols, "vals": vals}


def reference(x, rows, cols, vals):
    # forward: x.unsqueeze(-1); sparse.mm(a, x); squeeze(-1)
    x2 = x[:, None]  # (2, 1)
    # sparse COO matmul: out[r] += vals * x2[c]
    gathered = x2[cols] * vals[:, None]  # (nnz, 1)
    out = jnp.zeros((2, 1), dtype=x.dtype).at[rows].add(gathered)
    return out.squeeze(-1)

if __name__ == "__main__":
    import jax
    _d = setup_inputs()
    print(jax.jit(kernel)(*tuple(_d.values())))

</pallas_src>

<mosaic_0001>
#map = affine_map<(d0) -> (0)>
module attributes {stable_mosaic.version = 14 : i64} {
  func.func @_scs_body(%arg0: i32, %arg1: memref<2xf32, #tpu.memory_space<hbm>>, %arg2: memref<2xi32, #tpu.memory_space<hbm>>, %arg3: memref<2xi32, #tpu.memory_space<hbm>>, %arg4: memref<2xf32, #tpu.memory_space<hbm>>, %arg5: memref<2xf32, #tpu.memory_space<hbm>>, %arg6: memref<2xf32, #tpu.memory_space<smem>>, %arg7: memref<2xi32, #tpu.memory_space<smem>>, %arg8: memref<2xi32, #tpu.memory_space<smem>>, %arg9: memref<2xf32, #tpu.memory_space<smem>>, %arg10: memref<2xf32, #tpu.memory_space<smem>>, %arg11: memref<!tpu.dma_semaphore, #tpu.memory_space<semaphore_mem>>) attributes {dimension_semantics = [#tpu.dimension_semantics<core_parallel>], iteration_bounds = array<i64: 1>, scalar_prefetch = 0 : i64, scratch_operands = 6 : i64, tpu.core_type = #tpu.core_type<sc_scalar_subcore>, window_params = [{transform_indices = #map}, {transform_indices = #map}, {transform_indices = #map}, {transform_indices = #map}, {transform_indices = #map}]} {
    tpu.enqueue_dma source(%arg1 : memref<2xf32, #tpu.memory_space<hbm>>) target(%arg6 : memref<2xf32, #tpu.memory_space<smem>>) target_semaphore(%arg11 : memref<!tpu.dma_semaphore, #tpu.memory_space<semaphore_mem>>)
    tpu.enqueue_dma source(%arg2 : memref<2xi32, #tpu.memory_space<hbm>>) target(%arg7 : memref<2xi32, #tpu.memory_space<smem>>) target_semaphore(%arg11 : memref<!tpu.dma_semaphore, #tpu.memory_space<semaphore_mem>>)
    tpu.enqueue_dma source(%arg3 : memref<2xi32, #tpu.memory_space<hbm>>) target(%arg8 : memref<2xi32, #tpu.memory_space<smem>>) target_semaphore(%arg11 : memref<!tpu.dma_semaphore, #tpu.memory_space<semaphore_mem>>)
    tpu.enqueue_dma source(%arg4 : memref<2xf32, #tpu.memory_space<hbm>>) target(%arg9 : memref<2xf32, #tpu.memory_space<smem>>) target_semaphore(%arg11 : memref<!tpu.dma_semaphore, #tpu.memory_space<semaphore_mem>>)
    tpu.wait_dma2 semaphore(%arg11 : memref<!tpu.dma_semaphore, #tpu.memory_space<semaphore_mem>>) src(%arg1 : memref<2xf32, #tpu.memory_space<hbm>>) dst(%arg6 : memref<2xf32, #tpu.memory_space<smem>>)
    tpu.wait_dma2 semaphore(%arg11 : memref<!tpu.dma_semaphore, #tpu.memory_space<semaphore_mem>>) src(%arg2 : memref<2xi32, #tpu.memory_space<hbm>>) dst(%arg7 : memref<2xi32, #tpu.memory_space<smem>>)
    tpu.wait_dma2 semaphore(%arg11 : memref<!tpu.dma_semaphore, #tpu.memory_space<semaphore_mem>>) src(%arg3 : memref<2xi32, #tpu.memory_space<hbm>>) dst(%arg8 : memref<2xi32, #tpu.memory_space<smem>>)
    tpu.wait_dma2 semaphore(%arg11 : memref<!tpu.dma_semaphore, #tpu.memory_space<semaphore_mem>>) src(%arg4 : memref<2xf32, #tpu.memory_space<hbm>>) dst(%arg9 : memref<2xf32, #tpu.memory_space<smem>>)
    %swap3A = arith.constant 0.000000e+00 : f32
    %swap3A_0 = arith.constant 0 : i32
    %swap3A_1 = arith.index_cast %swap3A_0 : i32 to index
    %swap3A_2 = memref.load %arg10[%swap3A_1] : memref<2xf32, #tpu.memory_space<smem>>
    memref.store %swap3A, %arg10[%swap3A_1] : memref<2xf32, #tpu.memory_space<smem>>
    %swap3A_3 = arith.constant 0.000000e+00 : f32
    %swap3A_4 = arith.constant 1 : i32
    %swap3A_5 = arith.index_cast %swap3A_4 : i32 to index
    %swap3A_6 = memref.load %arg10[%swap3A_5] : memref<2xf32, #tpu.memory_space<smem>>
    memref.store %swap3A_3, %arg10[%swap3A_5] : memref<2xf32, #tpu.memory_space<smem>>
    %get3A = arith.constant 0 : i32
    %get3A_7 = arith.index_cast %get3A : i32 to index
    %get3A_8 = memref.load %arg7[%get3A_7] : memref<2xi32, #tpu.memory_space<smem>>
    %get3A_9 = arith.constant 0 : i32
    %get3A_10 = arith.index_cast %get3A_9 : i32 to index
    %get3A_11 = memref.load %arg8[%get3A_10] : memref<2xi32, #tpu.memory_space<smem>>
    %get3A_12 = arith.index_cast %get3A_8 : i32 to index
    %get3A_13 = memref.load %arg10[%get3A_12] : memref<2xf32, #tpu.memory_space<smem>>
    %get3A_14 = arith.constant 0 : i32
    %get3A_15 = arith.index_cast %get3A_14 : i32 to index
    %get3A_16 = memref.load %arg9[%get3A_15] : memref<2xf32, #tpu.memory_space<smem>>
    %get3A_17 = arith.index_cast %get3A_11 : i32 to index
    %get3A_18 = memref.load %arg6[%get3A_17] : memref<2xf32, #tpu.memory_space<smem>>
    %mul3A = arith.mulf %get3A_16, %get3A_18 : f32
    %add3A = arith.addf %get3A_13, %mul3A : f32
    %swap3A_19 = arith.index_cast %get3A_8 : i32 to index
    %swap3A_20 = memref.load %arg10[%swap3A_19] : memref<2xf32, #tpu.memory_space<smem>>
    memref.store %add3A, %arg10[%swap3A_19] : memref<2xf32, #tpu.memory_space<smem>>
    %get3A_21 = arith.constant 1 : i32
    %get3A_22 = arith.index_cast %get3A_21 : i32 to index
    %get3A_23 = memref.load %arg7[%get3A_22] : memref<2xi32, #tpu.memory_space<smem>>
    %get3A_24 = arith.constant 1 : i32
    %get3A_25 = arith.index_cast %get3A_24 : i32 to index
    %get3A_26 = memref.load %arg8[%get3A_25] : memref<2xi32, #tpu.memory_space<smem>>
    %get3A_27 = arith.index_cast %get3A_23 : i32 to index
    %get3A_28 = memref.load %arg10[%get3A_27] : memref<2xf32, #tpu.memory_space<smem>>
    %get3A_29 = arith.constant 1 : i32
    %get3A_30 = arith.index_cast %get3A_29 : i32 to index
    %get3A_31 = memref.load %arg9[%get3A_30] : memref<2xf32, #tpu.memory_space<smem>>
    %get3A_32 = arith.index_cast %get3A_26 : i32 to index
    %get3A_33 = memref.load %arg6[%get3A_32] : memref<2xf32, #tpu.memory_space<smem>>
    %mul3A_34 = arith.mulf %get3A_31, %get3A_33 : f32
    %add3A_35 = arith.addf %get3A_28, %mul3A_34 : f32
    %swap3A_36 = arith.index_cast %get3A_23 : i32 to index
    %swap3A_37 = memref.load %arg10[%swap3A_36] : memref<2xf32, #tpu.memory_space<smem>>
    memref.store %add3A_35, %arg10[%swap3A_36] : memref<2xf32, #tpu.memory_space<smem>>
    "tpu.region"() ({
      %run_scoped3A = tpu.sem_alloc : memref<!tpu.dma_semaphore, #tpu.memory_space<semaphore_mem>>
      tpu.enqueue_dma source(%arg10 : memref<2xf32, #tpu.memory_space<smem>>) target(%arg5 : memref<2xf32, #tpu.memory_space<hbm>>) target_semaphore(%run_scoped3A : memref<!tpu.dma_semaphore, #tpu.memory_space<semaphore_mem>>)
      tpu.wait_dma2 semaphore(%run_scoped3A : memref<!tpu.dma_semaphore, #tpu.memory_space<semaphore_mem>>) src(%arg10 : memref<2xf32, #tpu.memory_space<smem>>) dst(%arg5 : memref<2xf32, #tpu.memory_space<hbm>>)
      tpu.yield
    }) : () -> ()
    return
  }
}

</mosaic_0001>

<sc_bundles>
// kernel: kernel.3.cloned.1.call-start
scs
__scs_entry_jumppad:
0x0: {  	(pc) =	sbr.rel $0x88, $3  }
0x1: {  	(tag) =	ssettag $0x0;
	lr =	simm.s32 $0x1  }
0x2: {  	[smem:$0x3F9D] =	sst lr;
	_ =	strace $0xD0000000  }
0x3: {  	_ = 	snop  }
0x4: {  	_ = 	snop  }
0x5: {  	_ = 	snop  }
0x6: {  	_ = 	snop  }
0x7: {  	_ = 	snop  }
__scs_overlays_trampoline_lowered:
0x8: {  	[smem:$0x3FAC] =	sst s0  }
0x9: {  	[smem:$0x3FAD] =	sst s1  }
0xa: {  	[smem:$0x3FAE] =	sst s2  }
0xb: {  	[smem:$0x3FAF] =	sst s3  }
0xc: {  	[smem:$0x3FB0] =	sst s4  }
0xd: {  	[smem:$0x3FB1] =	sst s5  }
0xe: {  	[smem:$0x3FB2] =	sst s6  }
0xf: {  	[smem:$0x3FB3] =	sst s7  }
0x10: {  	[smem:$0x3FB4] =	sst s8  }
0x11: {  	[smem:$0x3FB5] =	sst s9;
	s0 =	simm.s32 @!p0 $0x0  }
0x12: {  	s1 =	sld [smem:$0x3F9B];
	s0 =	simm.s32 @p0 $0x1  }
0x13: {  	[smem:$0x3FB6] =	sst s0;
	s0 =	simm.s32 @!p1 $0x0  }
0x14: {  	s2 =	sld [smem:$0x3F9A];
	s0 =	simm.s32 @p1 $0x1  }
0x15: {  	[smem:$0x3FB7] =	sst s0;
	s0 =	simm.s32 @!p2 $0x0  }
0x16: {  	s3 =	sld [smem:$0x3FDB];
	s0 =	simm.s32 @p2 $0x1  }
0x17: {  	s4 =	simm.s32 $0x1BF5;
	[smem:$0x3FB9] =	sst s0  }
0x18: {  	s0 =	sld [smem:$0x3F9C];
	_ =	swait.ge [sflag:s4], $0x0  }
0x19: {  	s7 =	sld [smem:$0x3F9D]  }
0x1a: {  	s8 =	sadd.s32 $0xFFFFE003, lr  }
0x1b: {  	s9 =	sadd.s32 $0xFFFFFEF7, lr;
	s5 =	simm.s32 $0xFFFFFFFF;
	p2 =	slt.u32 s8, $0xFFFFF086  }
0x1c: {  	p1 =	slt.u32 s9, $0xF7A;
	s5 =	simm.s32 @!p2 $0x0  }
0x1d: {  	s5 =	simm.s32 @p1 $0x1;
	p0 =	seq.s32 s7, s2  }
0x1e: {  	s7 =	smul.u32 @!p0 $0xF7A, s2;
	p2 =	seq.s32 @!p0 s5, $0x0  }
0x1f: {  	s9 =	smul.u32 $0xF7A, s1;
	s8 =	simm.s32 @!p0 $0x1BF5;
	p2 =	por !p2, p0  }
0x20: {  	[sflag:s8] =	ssyncset.s32 @!p0 $0xFFFFF086;
	s6 =	sadd.s32 @!p0 s3, s7;
	s7 =	simm.s32 @!p0 $0x108  }
0x21: {  	s3 =	sadd.s32 s3, s9;
	s6 =	sadd.s32 @!p0 $0x88, s6;
	s7 =	simm.s32 @p2 $0x1082  }
0x22: {  	[simem:s7], [sflag:s8] =	dma.local @!p0 [hbm:s6], $0xF7A  }
0x23: {  	s9 =	sor.u32 $0xD0000000, s2;
	s6 =	simm.s32 $0x108;
	_ =	swait.ge @!p0 [sflag:s8], $0x0  }
0x24: {  	s3 =	sadd.s32 $0x88, s3;
	s6 =	simm.s32 @!p1 $0x1082;
	[sflag:s4] =	ssyncset.s32 $0xFFFFF086  }
0x25: {  	[simem:s6], [sflag:s4] =	dma.local [hbm:s3], $0xF7A  }
0x26: {  	[smem:$0x3F9D] =	sst s1;
	(tag) =	ssettag s2;
	_ =	strace s9  }
0x27: {  	s1 =	sld [smem:$0x3FAD]  }
0x28: {  	s2 =	sld [smem:$0x3FAE]  }
0x29: {  	s4 =	sld [smem:$0x3FB0]  }
0x2a: {  	p0 =	seq.s32 s5, $0x0;
	s5 =	sld [smem:$0x3FB1]  }
0x2b: {  	s6 =	sld [smem:$0x3FB2]  }
0x2c: {  	s7 =	sld [smem:$0x3FB3]  }
0x2d: {  	s3 =	simm.s32 $0x108;
	s8 =	sld [smem:$0x3FB4]  }
0x2e: {  	s3 =	simm.s32 @!p0 $0x1082;
	s9 =	sld [smem:$0x3FB5]  }
0x2f: {  	lr =	sadd.s32 s0, s3;
	s0 =	sld [smem:$0x3FAC]  }
0x30: {  	s3 =	sld [smem:$0x3FAF]  }
0x31: {  	[smem:$0x3FB8] =	sst s10  }
0x32: {  	s10 =	sld [smem:$0x3FB6];
	_ =	sdelay $0x3  }
0x33: {  	p0 =	seq.s32 s10, $0x1;
	s10 =	sld [smem:$0x3FB8];
	_ =	sdelay $0x3  }
0x34: {  	[smem:$0x3FB8] =	sst s10  }
0x35: {  	s10 =	sld [smem:$0x3FB7];
	_ =	sdelay $0x3  }
0x36: {  	p1 =	seq.s32 s10, $0x1;
	s10 =	sld [smem:$0x3FB8];
	_ =	sdelay $0x3  }
0x37: {  	[smem:$0x3FB8] =	sst s10  }
0x38: {  	s10 =	sld [smem:$0x3FB9]  }
0x39: {  	_ = 	snop;
	(pc) =	sbr.ind lr, $3  }
0x3a: {  	_ = 	snop  }
0x3b: {  	_ = 	snop  }
0x3c: {  	p2 =	seq.s32 s10, $0x1;
	s10 =	sld [smem:$0x3FB8]  }
0x3d: {  	_ =	shalt  }
0x3e: {  	_ =	shalt  }
0x3f: {  	_ =	shalt  }
0x40: {  	_ =	shalt  }
0x41: {  	_ =	shalt  }
0x42: {  	_ =	shalt  }
0x43: {  	_ =	shalt  }
0x44: {  	_ =	shalt  }
0x45: {  	_ =	shalt  }
0x46: {  	_ =	shalt  }
0x47: {  	_ =	shalt  }
0x48: {  	_ =	shalt  }
0x49: {  	_ =	shalt  }
0x4a: {  	_ =	shalt  }
0x4b: {  	_ =	shalt  }
0x4c: {  	_ =	shalt  }
0x4d: {  	_ =	shalt  }
0x4e: {  	_ =	shalt  }
0x4f: {  	_ =	shalt  }
0x50: {  	_ =	shalt  }
0x51: {  	_ =	shalt  }
0x52: {  	_ =	shalt  }
0x53: {  	_ =	shalt  }
0x54: {  	_ =	shalt  }
0x55: {  	_ =	shalt  }
0x56: {  	_ =	shalt  }
0x57: {  	_ =	shalt  }
0x58: {  	_ =	shalt  }
0x59: {  	_ =	shalt  }
0x5a: {  	_ =	shalt  }
0x5b: {  	_ =	shalt  }
0x5c: {  	_ =	shalt  }
0x5d: {  	_ =	shalt  }
0x5e: {  	_ =	shalt  }
0x5f: {  	_ =	shalt  }
0x60: {  	_ =	shalt  }
0x61: {  	_ =	shalt  }
0x62: {  	_ =	shalt  }
0x63: {  	_ =	shalt  }
0x64: {  	_ =	shalt  }
0x65: {  	_ =	shalt  }
0x66: {  	_ =	shalt  }
0x67: {  	_ =	shalt  }
0x68: {  	_ =	shalt  }
0x69: {  	_ =	shalt  }
0x6a: {  	_ =	shalt  }
0x6b: {  	_ =	shalt  }
0x6c: {  	_ =	shalt  }
0x6d: {  	_ =	shalt  }
0x6e: {  	_ =	shalt  }
0x6f: {  	_ =	shalt  }
0x70: {  	_ =	shalt  }
0x71: {  	_ =	shalt  }
0x72: {  	_ =	shalt  }
0x73: {  	_ =	shalt  }
0x74: {  	_ =	shalt  }
0x75: {  	_ =	shalt  }
0x76: {  	_ =	shalt  }
0x77: {  	_ =	shalt  }
0x78: {  	_ =	shalt  }
0x79: {  	_ =	shalt  }
0x7a: {  	_ =	shalt  }
0x7b: {  	_ =	shalt  }
0x7c: {  	_ =	shalt  }
0x7d: {  	_ =	shalt  }
0x7e: {  	_ =	shalt  }
0x7f: {  	_ =	shalt  }
0x80: {  	_ =	shalt  }
0x81: {  	_ =	shalt  }
0x82: {  	_ =	shalt  }
0x83: {  	_ =	shalt  }
0x84: {  	_ =	shalt  }
0x85: {  	_ =	shalt  }
0x86: {  	_ =	shalt  }
0x87: {  	_ =	shalt  }
.Lfunc_end0:
.L_simem_size_0:
called_computation_lowered:
.L_overlay_start_0:
0x88: {  	s0 =	sld [smem:$0x3FD9]  }
0x89: {  	s1 =	sld [smem:$0x3FFE];
	_ =	sdelay $0x3  }
0x8a: {  	s0 =	sadd.s32 s1, s0  }
0x8b: {  	[smem:$0x3FC4] =	sst s0  }
0x8c: {  	_ = 	snop  }
0x8d: {  	s0 =	sld [smem:$0x3FC9]  }
0x8e: {  	s12 =	sld [smem:$0x3FC8]  }
0x8f: {  	s2 =	sld [smem:$0x3FC7]  }
0x90: {  	s3 =	sld [smem:$0x3FC6]  }
0x91: {  	s4 =	sld [smem:$0x3FD0];
	(tm) =	ssettm $0x1  }
0x92: {  	s5 =	sld [smem:$0x3FFB];
	_ =	sdelay $0x3  }
0x93: {  	_ =	strace s5  }
0x94: {  	s5 =	sld [smem:$0x3FFC];
	_ =	sdelay $0x3  }
0x95: {  	_ =	strace s5  }
0x96: {  	s5 =	sld [smem:$0x3FFD];
	_ =	sdelay $0x3  }
0x97: {  	_ =	strace s5  }
0x98: {  	s13 =	simm.s32 $0x1B8B;
	_ =	strace $0x8FFFFFFF  }
0x99: {  	_ =	swait.ge [sflag:s13], $0x1  }
0x9a: {  	[sflag:s13] =	ssyncset.done $0x0  }
0x9b: {  	s14 =	simm.s32 $0x1B8E;
	s15 =	simm.s32 $0x9;
	[sflag:s13] =	ssyncadd.s32 $0xFFFFFFFF  }
0x9c: {  	s6 =	simm.s32 $0x10;
	s16 =	simm.s32 $0x90;
	[smem:$0x3FD2] =	sst s14  }
0x9d: {  	s17 =	simm.s32 $0x110;
	s18 =	simm.s32 $0x190;
	_ =	strace $0x80000046  }
0x9e: {  	[smem:s6], [sflag:s15] =	dma.local [hbm:s0], $0x10  }
0x9f: {  	[smem:s16], [sflag:s15] =	dma.local [hbm:s12], $0x10  }
0xa0: {  	[smem:s17], [sflag:s15] =	dma.local [hbm:s2], $0x10  }
0xa1: {  	[smem:s18], [sflag:s15] =	dma.local [hbm:s3], $0x10  }
0xa2: {  	_ =	swait.ge [sflag:s15], $0x10  }
0xa3: {  	[sflag:s15] =	ssyncset.done $0x0  }
0xa4: {  	[sflag:s15] =	ssyncadd.s32 $0xFFFFFFF0;
	_ =	sdelay $0x2  }
0xa5: {  	_ =	swait.ge [sflag:s15], $0x10  }
0xa6: {  	[sflag:s15] =	ssyncset.done $0x0  }
0xa7: {  	[sflag:s15] =	ssyncadd.s32 $0xFFFFFFF0;
	_ =	sdelay $0x2  }
0xa8: {  	_ =	swait.ge [sflag:s15], $0x10  }
0xa9: {  	[sflag:s15] =	ssyncset.done $0x0  }
0xaa: {  	[sflag:s15] =	ssyncadd.s32 $0xFFFFFFF0;
	_ =	sdelay $0x2  }
0xab: {  	_ =	swait.ge [sflag:s15], $0x10  }
0xac: {  	[sflag:s15] =	ssyncset.done $0x0  }
0xad: {  	s19 =	simm.s32 $0x0;
	[sflag:s15] =	ssyncadd.s32 $0xFFFFFFF0  }
0xae: {  	[smem:$0x210] =	sst s19  }
0xaf: {  	[smem:$0x211] =	sst s19  }
0xb0: {  	s0 =	sld [smem:$0x110];
	_ =	sdelay $0x1  }
0xb1: {  	s20 =	sld [smem:$0x90]  }
0xb2: {  	s21 =	sld [smem:$0x190]  }
0xb3: {  	s0 =	sld [smem:s0+$0x10];
	_ =	sdelay $0x1  }
0xb4: {  	s22 =	sld [smem:s20+$0x210];
	_ =	sdelay $0x1  }
0xb5: {  	s0 =	smul.f32 s0, s21;
	_ =	sdelay $0x1  }
0xb6: {  	s0 =	sadd.f32 s0, s22  }
0xb7: {  	s1 =	sadd.s32 $0x210, s20  }
0xb8: {  	[smem:s1] =	sst s0  }
0xb9: {  	s0 =	sld [smem:$0x111];
	_ =	sdelay $0x1  }
0xba: {  	s1 =	sld [smem:$0x91]  }
0xbb: {  	s23 =	sld [smem:$0x191]  }
0xbc: {  	s0 =	sld [smem:s0+$0x10];
	_ =	sdelay $0x1  }
0xbd: {  	s24 =	sld [smem:s1+$0x210];
	_ =	sdelay $0x1  }
0xbe: {  	s0 =	smul.f32 s0, s23;
	_ =	sdelay $0x1  }
0xbf: {  	s0 =	sadd.f32 s0, s24  }
0xc0: {  	s1 =	sadd.s32 $0x210, s1  }
0xc1: {  	s25 =	simm.s32 $0x210;
	s26 =	simm.s32 $0xA;
	[smem:s1] =	sst s0  }
0xc2: {  	[hbm:s4], [sflag:s26] =	dma.local [smem:s25], $0x10  }
0xc3: {  	_ =	swait.ge [sflag:s26], $0x10  }
0xc4: {  	[sflag:s26] =	ssyncset.done $0x0  }
0xc5: {  	[sflag:s26] =	ssyncadd.s32 $0xFFFFFFF0  }
0xc6: {  	_ =	strace $0x90000046  }
0xc7: {  	_ =	sfence  }
0xc8: {  	s28 =	sld [smem:$0x0];
	_ =	sdelay $0x1  }
0xc9: {  	s29 =	srdreg.scid  }
0xca: {  	s30 =	sshll.u32 s29, $0xD;
	s31 =	sshrl.u32 s29, $0x2  }
0xcb: {  	s2 =	sand.u32 $0x4000, s30;
	s1 =	sand.u32 $0x1, s29;
	s0 =	sadd.s32 s31, s28  }
0xcc: {  	s1 =	sor.u32 s2, s1;
	s0 =	sshll.u32 s0, $0x11  }
0xcd: {  	s0 =	sor.u32 s0, s1  }
0xce: {  	s0 =	sadd.s32 $0x8F2B, s0;
	(pc) =	sbr.abs _section_cstart, $3  }
0xcf: {  	[sflag:s0] =	ssyncadd.remote.s32 $0x1  }
0xd0: {  	_ =	strace $0x9FFFFFFF  }
0xd1: {  	(tm) =	ssettm $0x7FFFFFFF  }

</sc_bundles>
